<compile_context>
chip_gen: v7x
topology: tpu7x:2x2x1
jax: 0.10.2.dev20260603
libtpu: 0.0.44.dev20260713+nightly
codegen_flags: <defaults>
</compile_context>

<pallas_src>
import functools

import jax
import jax.numpy as jnp
from jax import lax
from jax.experimental import pallas as pl
from jax.experimental.pallas import tpu as pltpu
from jax.experimental.pallas import tpu_sc as plsc

_CHUNK = 64


def _make_sc_kernel(batch, seq, dim, dtype):
    info = plsc.get_sparse_core_info()
    nw = info.num_cores * info.num_subcores
    rows_per_w = seq // nw
    nch = rows_per_w // _CHUNK
    mesh = plsc.VectorSubcoreMesh(core_axis_name="c", subcore_axis_name="s")

    @functools.partial(
        pl.kernel,
        mesh=mesh,
        out_type=jax.ShapeDtypeStruct((batch, seq, dim), dtype),
        scratch_types=[
            pltpu.VMEM((nch, _CHUNK, dim), dtype),
            pltpu.SemaphoreType.DMA((nch,)),
            pltpu.SemaphoreType.DMA,
        ],
    )
    def k(pe_hbm, out_hbm, buf, rsems, wsem):
        wid = lax.axis_index("s") * info.num_cores + lax.axis_index("c")
        base = wid * rows_per_w
        reads = []
        for c in range(nch):
            r = pltpu.make_async_copy(
                pe_hbm.at[pl.ds(base + c * _CHUNK, _CHUNK)],
                buf.at[c],
                rsems.at[c],
            )
            r.start()
            reads.append(r)
        writes = []
        for c in range(nch):
            reads[c].wait()
            for b in range(batch):
                w = pltpu.make_async_copy(
                    buf.at[c],
                    out_hbm.at[b, pl.ds(base + c * _CHUNK, _CHUNK)],
                    wsem,
                )
                w.start()
                writes.append(w)
        for w in writes:
            w.wait()

    return k


def kernel(mask, pe):
    batch, seq = mask.shape
    max_len, dim = pe.shape
    k = _make_sc_kernel(batch, seq, dim, pe.dtype)
    return k(pe[:seq])

# --- scband reference (transcript-rebuilt; emitter-appended) ---
"""Pipeline reference for scband-positional-encoding-6837587936140 (READ-ONLY COPY).

The authoritative reference and input builder live on the scoring server;
editing this copy changes nothing except your own understanding.
"""

import jax, jax.numpy as jnp
import numpy as np

DIM = 1024
MAX_LEN = 4096
BATCH = 4
SEQ = 4096


def setup_inputs(seed: int = 0) -> dict:
    key = jax.random.key(seed)
    mask = jnp.ones((BATCH, SEQ), dtype=bool)
    # learned positional-embedding table (torch nn.Embedding default init: N(0,1))
    pe = jax.random.normal(jax.random.fold_in(key, 1), (MAX_LEN, DIM), dtype=jnp.float32)
    return {"mask": mask, "pe": pe}


def reference(mask, pe):
    # mode='learned', shape[-1] == pe.shape[0] -> deterministic path:
    # res = pe[:n].view(1, n, dim).repeat(batch, 1, 1)
    shape = mask.shape
    n = shape[-1]
    res = jnp.broadcast_to(pe[:n][None, :, :], (shape[0], n, pe.shape[1]))
    # force a materialized copy to mirror torch .repeat semantics
    res = res + jnp.zeros((), dtype=res.dtype)
    return res

if __name__ == "__main__":
    import jax
    _d = setup_inputs()
    print(jax.jit(kernel)(*tuple(_d.values())))

</pallas_src>

<mosaic_0001>
#map = affine_map<(d0, d1) -> (0, 0)>
#map1 = affine_map<(d0, d1) -> (0, 0, 0)>
module attributes {stable_mosaic.version = 14 : i64} {
  func.func @k(%arg0: i32, %arg1: i32, %arg2: memref<4096x1024xf32, #tpu.memory_space<hbm>>, %arg3: memref<4x4096x1024xf32, #tpu.memory_space<hbm>>, %arg4: memref<2x64x1024xf32, #tpu.memory_space<vmem>>, %arg5: memref<2x!tpu.dma_semaphore, #tpu.memory_space<semaphore_mem>>, %arg6: memref<!tpu.dma_semaphore, #tpu.memory_space<semaphore_mem>>) attributes {dimension_semantics = [#tpu.dimension_semantics<core_parallel>, #tpu.dimension_semantics<subcore_parallel>], iteration_bounds = array<i64: 2, 16>, scalar_prefetch = 0 : i64, scratch_operands = 3 : i64, tpu.core_type = #tpu.core_type<sc_vector_subcore>, window_params = [{transform_indices = #map}, {transform_indices = #map1}]} {
    %mul3A = arith.constant 2 : i32
    %mul3A_0 = arith.muli %arg1, %mul3A : i32
    %add3A = arith.addi %mul3A_0, %arg0 : i32
    %mul3A_1 = arith.constant 128 : i32
    %mul3A_2 = arith.muli %add3A, %mul3A_1 : i32
    %add3A_3 = arith.constant 0 : i32
    %add3A_4 = arith.addi %mul3A_2, %add3A_3 : i32
    %dma_start3A = arith.constant 0 : i32
    %dma_start3A_5 = arith.constant 0 : i32
    %dma_start3A_6 = arith.constant 0 : i32
    %dma_start3A_7 = arith.constant 0 : i32
    %dma_start3A_8 = tpu.memref_slice %arg4[%dma_start3A, %dma_start3A_6, %dma_start3A_7] : memref<2x64x1024xf32, #tpu.memory_space<vmem>> -> memref<1x64x1024xf32, #tpu.memory_space<vmem>>
    %dma_start3A_9 = tpu.memref_squeeze %dma_start3A_8 : memref<1x64x1024xf32, #tpu.memory_space<vmem>> -> memref<64x1024xf32, #tpu.memory_space<vmem>>
    %dma_start3A_10 = arith.constant 0 : i32
    %dma_start3A_11 = tpu.memref_slice %arg2[%add3A_4, %dma_start3A_10] : memref<4096x1024xf32, #tpu.memory_space<hbm>> -> memref<64x1024xf32, #tpu.memory_space<hbm>>
    %dma_start3A_12 = tpu.memref_slice %arg5[%dma_start3A_5] : memref<2x!tpu.dma_semaphore, #tpu.memory_space<semaphore_mem>> -> memref<1x!tpu.dma_semaphore, #tpu.memory_space<semaphore_mem>>
    %dma_start3A_13 = tpu.memref_squeeze %dma_start3A_12 : memref<1x!tpu.dma_semaphore, #tpu.memory_space<semaphore_mem>> -> memref<!tpu.dma_semaphore, #tpu.memory_space<semaphore_mem>>
    %dma_start3A_14 = arith.constant 0 : i32
    %dma_start3A_15 = arith.constant 0 : i32
    %dma_start3A_16 = tpu.memref_slice %arg4[%dma_start3A, %dma_start3A_14, %dma_start3A_15] : memref<2x64x1024xf32, #tpu.memory_space<vmem>> -> memref<1x64x1024xf32, #tpu.memory_space<vmem>>
    %dma_start3A_17 = tpu.memref_squeeze %dma_start3A_16 : memref<1x64x1024xf32, #tpu.memory_space<vmem>> -> memref<64x1024xf32, #tpu.memory_space<vmem>>
    %dma_start3A_18 = arith.constant 0 : i32
    %dma_start3A_19 = tpu.memref_slice %arg2[%add3A_4, %dma_start3A_18] : memref<4096x1024xf32, #tpu.memory_space<hbm>> -> memref<64x1024xf32, #tpu.memory_space<hbm>>
    tpu.enqueue_dma source(%dma_start3A_19 : memref<64x1024xf32, #tpu.memory_space<hbm>>) target(%dma_start3A_17 : memref<64x1024xf32, #tpu.memory_space<vmem>>) target_semaphore(%dma_start3A_13 : memref<!tpu.dma_semaphore, #tpu.memory_space<semaphore_mem>>)
    %add3A_20 = arith.constant 64 : i32
    %add3A_21 = arith.addi %mul3A_2, %add3A_20 : i32
    %dma_start3A_22 = arith.constant 1 : i32
    %dma_start3A_23 = arith.constant 1 : i32
    %dma_start3A_24 = arith.constant 0 : i32
    %dma_start3A_25 = arith.constant 0 : i32
    %dma_start3A_26 = tpu.memref_slice %arg4[%dma_start3A_22, %dma_start3A_24, %dma_start3A_25] : memref<2x64x1024xf32, #tpu.memory_space<vmem>> -> memref<1x64x1024xf32, #tpu.memory_space<vmem>>
    %dma_start3A_27 = tpu.memref_squeeze %dma_start3A_26 : memref<1x64x1024xf32, #tpu.memory_space<vmem>> -> memref<64x1024xf32, #tpu.memory_space<vmem>>
    %dma_start3A_28 = arith.constant 0 : i32
    %dma_start3A_29 = tpu.memref_slice %arg2[%add3A_21, %dma_start3A_28] : memref<4096x1024xf32, #tpu.memory_space<hbm>> -> memref<64x1024xf32, #tpu.memory_space<hbm>>
    %dma_start3A_30 = tpu.memref_slice %arg5[%dma_start3A_23] : memref<2x!tpu.dma_semaphore, #tpu.memory_space<semaphore_mem>> -> memref<1x!tpu.dma_semaphore, #tpu.memory_space<semaphore_mem>>
    %dma_start3A_31 = tpu.memref_squeeze %dma_start3A_30 : memref<1x!tpu.dma_semaphore, #tpu.memory_space<semaphore_mem>> -> memref<!tpu.dma_semaphore, #tpu.memory_space<semaphore_mem>>
    %dma_start3A_32 = arith.constant 0 : i32
    %dma_start3A_33 = arith.constant 0 : i32
    %dma_start3A_34 = tpu.memref_slice %arg4[%dma_start3A_22, %dma_start3A_32, %dma_start3A_33] : memref<2x64x1024xf32, #tpu.memory_space<vmem>> -> memref<1x64x1024xf32, #tpu.memory_space<vmem>>
    %dma_start3A_35 = tpu.memref_squeeze %dma_start3A_34 : memref<1x64x1024xf32, #tpu.memory_space<vmem>> -> memref<64x1024xf32, #tpu.memory_space<vmem>>
    %dma_start3A_36 = arith.constant 0 : i32
    %dma_start3A_37 = tpu.memref_slice %arg2[%add3A_21, %dma_start3A_36] : memref<4096x1024xf32, #tpu.memory_space<hbm>> -> memref<64x1024xf32, #tpu.memory_space<hbm>>
    tpu.enqueue_dma source(%dma_start3A_37 : memref<64x1024xf32, #tpu.memory_space<hbm>>) target(%dma_start3A_35 : memref<64x1024xf32, #tpu.memory_space<vmem>>) target_semaphore(%dma_start3A_31 : memref<!tpu.dma_semaphore, #tpu.memory_space<semaphore_mem>>)
    %dma_wait3A = arith.constant 0 : i32
    %dma_wait3A_38 = arith.constant 0 : i32
    %dma_wait3A_39 = arith.constant 0 : i32
    %dma_wait3A_40 = arith.constant 0 : i32
    %dma_wait3A_41 = tpu.memref_slice %arg4[%dma_wait3A, %dma_wait3A_39, %dma_wait3A_40] : memref<2x64x1024xf32, #tpu.memory_space<vmem>> -> memref<1x64x1024xf32, #tpu.memory_space<vmem>>
    %dma_wait3A_42 = tpu.memref_squeeze %dma_wait3A_41 : memref<1x64x1024xf32, #tpu.memory_space<vmem>> -> memref<64x1024xf32, #tpu.memory_space<vmem>>
    %dma_wait3A_43 = arith.constant 0 : i32
    %dma_wait3A_44 = tpu.memref_slice %arg2[%add3A_4, %dma_wait3A_43] : memref<4096x1024xf32, #tpu.memory_space<hbm>> -> memref<64x1024xf32, #tpu.memory_space<hbm>>
    %dma_wait3A_45 = tpu.memref_slice %arg5[%dma_wait3A_38] : memref<2x!tpu.dma_semaphore, #tpu.memory_space<semaphore_mem>> -> memref<1x!tpu.dma_semaphore, #tpu.memory_space<semaphore_mem>>
    %dma_wait3A_46 = tpu.memref_squeeze %dma_wait3A_45 : memref<1x!tpu.dma_semaphore, #tpu.memory_space<semaphore_mem>> -> memref<!tpu.dma_semaphore, #tpu.memory_space<semaphore_mem>>
    %dma_wait3A_47 = arith.constant 0 : i32
    %dma_wait3A_48 = arith.constant 0 : i32
    %dma_wait3A_49 = tpu.memref_slice %arg4[%dma_wait3A, %dma_wait3A_47, %dma_wait3A_48] : memref<2x64x1024xf32, #tpu.memory_space<vmem>> -> memref<1x64x1024xf32, #tpu.memory_space<vmem>>
    %dma_wait3A_50 = tpu.memref_squeeze %dma_wait3A_49 : memref<1x64x1024xf32, #tpu.memory_space<vmem>> -> memref<64x1024xf32, #tpu.memory_space<vmem>>
    %dma_wait3A_51 = arith.constant 0 : i32
    %dma_wait3A_52 = tpu.memref_slice %arg2[%add3A_4, %dma_wait3A_51] : memref<4096x1024xf32, #tpu.memory_space<hbm>> -> memref<64x1024xf32, #tpu.memory_space<hbm>>
    tpu.wait_dma2 semaphore(%dma_wait3A_46 : memref<!tpu.dma_semaphore, #tpu.memory_space<semaphore_mem>>) src(%dma_wait3A_52 : memref<64x1024xf32, #tpu.memory_space<hbm>>) dst(%dma_wait3A_50 : memref<64x1024xf32, #tpu.memory_space<vmem>>)
    %add3A_53 = arith.constant 0 : i32
    %add3A_54 = arith.addi %mul3A_2, %add3A_53 : i32
    %dma_start3A_55 = arith.constant 0 : i32
    %dma_start3A_56 = arith.constant 0 : i32
    %dma_start3A_57 = arith.constant 0 : i32
    %dma_start3A_58 = arith.constant 0 : i32
    %dma_start3A_59 = tpu.memref_slice %arg4[%dma_start3A_55, %dma_start3A_57, %dma_start3A_58] : memref<2x64x1024xf32, #tpu.memory_space<vmem>> -> memref<1x64x1024xf32, #tpu.memory_space<vmem>>
    %dma_start3A_60 = tpu.memref_squeeze %dma_start3A_59 : memref<1x64x1024xf32, #tpu.memory_space<vmem>> -> memref<64x1024xf32, #tpu.memory_space<vmem>>
    %dma_start3A_61 = arith.constant 0 : i32
    %dma_start3A_62 = tpu.memref_slice %arg3[%dma_start3A_56, %add3A_54, %dma_start3A_61] : memref<4x4096x1024xf32, #tpu.memory_space<hbm>> -> memref<1x64x1024xf32, #tpu.memory_space<hbm>>
    %dma_start3A_63 = tpu.memref_squeeze %dma_start3A_62 : memref<1x64x1024xf32, #tpu.memory_space<hbm>> -> memref<64x1024xf32, #tpu.memory_space<hbm>>
    %dma_start3A_64 = arith.constant 0 : i32
    %dma_start3A_65 = tpu.memref_slice %arg3[%dma_start3A_56, %add3A_54, %dma_start3A_64] : memref<4x4096x1024xf32, #tpu.memory_space<hbm>> -> memref<1x64x1024xf32, #tpu.memory_space<hbm>>
    %dma_start3A_66 = tpu.memref_squeeze %dma_start3A_65 : memref<1x64x1024xf32, #tpu.memory_space<hbm>> -> memref<64x1024xf32, #tpu.memory_space<hbm>>
    %dma_start3A_67 = arith.constant 0 : i32
    %dma_start3A_68 = arith.constant 0 : i32
    %dma_start3A_69 = tpu.memref_slice %arg4[%dma_start3A_55, %dma_start3A_67, %dma_start3A_68] : memref<2x64x1024xf32, #tpu.memory_space<vmem>> -> memref<1x64x1024xf32, #tpu.memory_space<vmem>>
    %dma_start3A_70 = tpu.memref_squeeze %dma_start3A_69 : memref<1x64x1024xf32, #tpu.memory_space<vmem>> -> memref<64x1024xf32, #tpu.memory_space<vmem>>
    tpu.enqueue_dma source(%dma_start3A_70 : memref<64x1024xf32, #tpu.memory_space<vmem>>) target(%dma_start3A_66 : memref<64x1024xf32, #tpu.memory_space<hbm>>) target_semaphore(%arg6 : memref<!tpu.dma_semaphore, #tpu.memory_space<semaphore_mem>>)
    %add3A_71 = arith.constant 0 : i32
    %add3A_72 = arith.addi %mul3A_2, %add3A_71 : i32
    %dma_start3A_73 = arith.constant 0 : i32
    %dma_start3A_74 = arith.constant 1 : i32
    %dma_start3A_75 = arith.constant 0 : i32
    %dma_start3A_76 = arith.constant 0 : i32
    %dma_start3A_77 = tpu.memref_slice %arg4[%dma_start3A_73, %dma_start3A_75, %dma_start3A_76] : memref<2x64x1024xf32, #tpu.memory_space<vmem>> -> memref<1x64x1024xf32, #tpu.memory_space<vmem>>
    %dma_start3A_78 = tpu.memref_squeeze %dma_start3A_77 : memref<1x64x1024xf32, #tpu.memory_space<vmem>> -> memref<64x1024xf32, #tpu.memory_space<vmem>>
    %dma_start3A_79 = arith.constant 0 : i32
    %dma_start3A_80 = tpu.memref_slice %arg3[%dma_start3A_74, %add3A_72, %dma_start3A_79] : memref<4x4096x1024xf32, #tpu.memory_space<hbm>> -> memref<1x64x1024xf32, #tpu.memory_space<hbm>>
    %dma_start3A_81 = tpu.memref_squeeze %dma_start3A_80 : memref<1x64x1024xf32, #tpu.memory_space<hbm>> -> memref<64x1024xf32, #tpu.memory_space<hbm>>
    %dma_start3A_82 = arith.constant 0 : i32
    %dma_start3A_83 = tpu.memref_slice %arg3[%dma_start3A_74, %add3A_72, %dma_start3A_82] : memref<4x4096x1024xf32, #tpu.memory_space<hbm>> -> memref<1x64x1024xf32, #tpu.memory_space<hbm>>
    %dma_start3A_84 = tpu.memref_squeeze %dma_start3A_83 : memref<1x64x1024xf32, #tpu.memory_space<hbm>> -> memref<64x1024xf32, #tpu.memory_space<hbm>>
    %dma_start3A_85 = arith.constant 0 : i32
    %dma_start3A_86 = arith.constant 0 : i32
    %dma_start3A_87 = tpu.memref_slice %arg4[%dma_start3A_73, %dma_start3A_85, %dma_start3A_86] : memref<2x64x1024xf32, #tpu.memory_space<vmem>> -> memref<1x64x1024xf32, #tpu.memory_space<vmem>>
    %dma_start3A_88 = tpu.memref_squeeze %dma_start3A_87 : memref<1x64x1024xf32, #tpu.memory_space<vmem>> -> memref<64x1024xf32, #tpu.memory_space<vmem>>
    tpu.enqueue_dma source(%dma_start3A_88 : memref<64x1024xf32, #tpu.memory_space<vmem>>) target(%dma_start3A_84 : memref<64x1024xf32, #tpu.memory_space<hbm>>) target_semaphore(%arg6 : memref<!tpu.dma_semaphore, #tpu.memory_space<semaphore_mem>>)
    %add3A_89 = arith.constant 0 : i32
    %add3A_90 = arith.addi %mul3A_2, %add3A_89 : i32
    %dma_start3A_91 = arith.constant 0 : i32
    %dma_start3A_92 = arith.constant 2 : i32
    %dma_start3A_93 = arith.constant 0 : i32
    %dma_start3A_94 = arith.constant 0 : i32
    %dma_start3A_95 = tpu.memref_slice %arg4[%dma_start3A_91, %dma_start3A_93, %dma_start3A_94] : memref<2x64x1024xf32, #tpu.memory_space<vmem>> -> memref<1x64x1024xf32, #tpu.memory_space<vmem>>
    %dma_start3A_96 = tpu.memref_squeeze %dma_start3A_95 : memref<1x64x1024xf32, #tpu.memory_space<vmem>> -> memref<64x1024xf32, #tpu.memory_space<vmem>>
    %dma_start3A_97 = arith.constant 0 : i32
    %dma_start3A_98 = tpu.memref_slice %arg3[%dma_start3A_92, %add3A_90, %dma_start3A_97] : memref<4x4096x1024xf32, #tpu.memory_space<hbm>> -> memref<1x64x1024xf32, #tpu.memory_space<hbm>>
    %dma_start3A_99 = tpu.memref_squeeze %dma_start3A_98 : memref<1x64x1024xf32, #tpu.memory_space<hbm>> -> memref<64x1024xf32, #tpu.memory_space<hbm>>
    %dma_start3A_100 = arith.constant 0 : i32
    %dma_start3A_101 = tpu.memref_slice %arg3[%dma_start3A_92, %add3A_90, %dma_start3A_100] : memref<4x4096x1024xf32, #tpu.memory_space<hbm>> -> memref<1x64x1024xf32, #tpu.memory_space<hbm>>
    %dma_start3A_102 = tpu.memref_squeeze %dma_start3A_101 : memref<1x64x1024xf32, #tpu.memory_space<hbm>> -> memref<64x1024xf32, #tpu.memory_space<hbm>>
    %dma_start3A_103 = arith.constant 0 : i32
    %dma_start3A_104 = arith.constant 0 : i32
    %dma_start3A_105 = tpu.memref_slice %arg4[%dma_start3A_91, %dma_start3A_103, %dma_start3A_104] : memref<2x64x1024xf32, #tpu.memory_space<vmem>> -> memref<1x64x1024xf32, #tpu.memory_space<vmem>>
    %dma_start3A_106 = tpu.memref_squeeze %dma_start3A_105 : memref<1x64x1024xf32, #tpu.memory_space<vmem>> -> memref<64x1024xf32, #tpu.memory_space<vmem>>
    tpu.enqueue_dma source(%dma_start3A_106 : memref<64x1024xf32, #tpu.memory_space<vmem>>) target(%dma_start3A_102 : memref<64x1024xf32, #tpu.memory_space<hbm>>) target_semaphore(%arg6 : memref<!tpu.dma_semaphore, #tpu.memory_space<semaphore_mem>>)
    %add3A_107 = arith.constant 0 : i32
    %add3A_108 = arith.addi %mul3A_2, %add3A_107 : i32
    %dma_start3A_109 = arith.constant 0 : i32
    %dma_start3A_110 = arith.constant 3 : i32
    %dma_start3A_111 = arith.constant 0 : i32
    %dma_start3A_112 = arith.constant 0 : i32
    %dma_start3A_113 = tpu.memref_slice %arg4[%dma_start3A_109, %dma_start3A_111, %dma_start3A_112] : memref<2x64x1024xf32, #tpu.memory_space<vmem>> -> memref<1x64x1024xf32, #tpu.memory_space<vmem>>
    %dma_start3A_114 = tpu.memref_squeeze %dma_start3A_113 : memref<1x64x1024xf32, #tpu.memory_space<vmem>> -> memref<64x1024xf32, #tpu.memory_space<vmem>>
    %dma_start3A_115 = arith.constant 0 : i32
    %dma_start3A_116 = tpu.memref_slice %arg3[%dma_start3A_110, %add3A_108, %dma_start3A_115] : memref<4x4096x1024xf32, #tpu.memory_space<hbm>> -> memref<1x64x1024xf32, #tpu.memory_space<hbm>>
    %dma_start3A_117 = tpu.memref_squeeze %dma_start3A_116 : memref<1x64x1024xf32, #tpu.memory_space<hbm>> -> memref<64x1024xf32, #tpu.memory_space<hbm>>
    %dma_start3A_118 = arith.constant 0 : i32
    %dma_start3A_119 = tpu.memref_slice %arg3[%dma_start3A_110, %add3A_108, %dma_start3A_118] : memref<4x4096x1024xf32, #tpu.memory_space<hbm>> -> memref<1x64x1024xf32, #tpu.memory_space<hbm>>
    %dma_start3A_120 = tpu.memref_squeeze %dma_start3A_119 : memref<1x64x1024xf32, #tpu.memory_space<hbm>> -> memref<64x1024xf32, #tpu.memory_space<hbm>>
    %dma_start3A_121 = arith.constant 0 : i32
    %dma_start3A_122 = arith.constant 0 : i32
    %dma_start3A_123 = tpu.memref_slice %arg4[%dma_start3A_109, %dma_start3A_121, %dma_start3A_122] : memref<2x64x1024xf32, #tpu.memory_space<vmem>> -> memref<1x64x1024xf32, #tpu.memory_space<vmem>>
    %dma_start3A_124 = tpu.memref_squeeze %dma_start3A_123 : memref<1x64x1024xf32, #tpu.memory_space<vmem>> -> memref<64x1024xf32, #tpu.memory_space<vmem>>
    tpu.enqueue_dma source(%dma_start3A_124 : memref<64x1024xf32, #tpu.memory_space<vmem>>) target(%dma_start3A_120 : memref<64x1024xf32, #tpu.memory_space<hbm>>) target_semaphore(%arg6 : memref<!tpu.dma_semaphore, #tpu.memory_space<semaphore_mem>>)
    %dma_wait3A_125 = arith.constant 1 : i32
    %dma_wait3A_126 = arith.constant 1 : i32
    %dma_wait3A_127 = arith.constant 0 : i32
    %dma_wait3A_128 = arith.constant 0 : i32
    %dma_wait3A_129 = tpu.memref_slice %arg4[%dma_wait3A_125, %dma_wait3A_127, %dma_wait3A_128] : memref<2x64x1024xf32, #tpu.memory_space<vmem>> -> memref<1x64x1024xf32, #tpu.memory_space<vmem>>
    %dma_wait3A_130 = tpu.memref_squeeze %dma_wait3A_129 : memref<1x64x1024xf32, #tpu.memory_space<vmem>> -> memref<64x1024xf32, #tpu.memory_space<vmem>>
    %dma_wait3A_131 = arith.constant 0 : i32
    %dma_wait3A_132 = tpu.memref_slice %arg2[%add3A_21, %dma_wait3A_131] : memref<4096x1024xf32, #tpu.memory_space<hbm>> -> memref<64x1024xf32, #tpu.memory_space<hbm>>
    %dma_wait3A_133 = tpu.memref_slice %arg5[%dma_wait3A_126] : memref<2x!tpu.dma_semaphore, #tpu.memory_space<semaphore_mem>> -> memref<1x!tpu.dma_semaphore, #tpu.memory_space<semaphore_mem>>
    %dma_wait3A_134 = tpu.memref_squeeze %dma_wait3A_133 : memref<1x!tpu.dma_semaphore, #tpu.memory_space<semaphore_mem>> -> memref<!tpu.dma_semaphore, #tpu.memory_space<semaphore_mem>>
    %dma_wait3A_135 = arith.constant 0 : i32
    %dma_wait3A_136 = arith.constant 0 : i32
    %dma_wait3A_137 = tpu.memref_slice %arg4[%dma_wait3A_125, %dma_wait3A_135, %dma_wait3A_136] : memref<2x64x1024xf32, #tpu.memory_space<vmem>> -> memref<1x64x1024xf32, #tpu.memory_space<vmem>>
    %dma_wait3A_138 = tpu.memref_squeeze %dma_wait3A_137 : memref<1x64x1024xf32, #tpu.memory_space<vmem>> -> memref<64x1024xf32, #tpu.memory_space<vmem>>
    %dma_wait3A_139 = arith.constant 0 : i32
    %dma_wait3A_140 = tpu.memref_slice %arg2[%add3A_21, %dma_wait3A_139] : memref<4096x1024xf32, #tpu.memory_space<hbm>> -> memref<64x1024xf32, #tpu.memory_space<hbm>>
    tpu.wait_dma2 semaphore(%dma_wait3A_134 : memref<!tpu.dma_semaphore, #tpu.memory_space<semaphore_mem>>) src(%dma_wait3A_140 : memref<64x1024xf32, #tpu.memory_space<hbm>>) dst(%dma_wait3A_138 : memref<64x1024xf32, #tpu.memory_space<vmem>>)
    %add3A_141 = arith.constant 64 : i32
    %add3A_142 = arith.addi %mul3A_2, %add3A_141 : i32
    %dma_start3A_143 = arith.constant 1 : i32
    %dma_start3A_144 = arith.constant 0 : i32
    %dma_start3A_145 = arith.constant 0 : i32
    %dma_start3A_146 = arith.constant 0 : i32
    %dma_start3A_147 = tpu.memref_slice %arg4[%dma_start3A_143, %dma_start3A_145, %dma_start3A_146] : memref<2x64x1024xf32, #tpu.memory_space<vmem>> -> memref<1x64x1024xf32, #tpu.memory_space<vmem>>
    %dma_start3A_148 = tpu.memref_squeeze %dma_start3A_147 : memref<1x64x1024xf32, #tpu.memory_space<vmem>> -> memref<64x1024xf32, #tpu.memory_space<vmem>>
    %dma_start3A_149 = arith.constant 0 : i32
    %dma_start3A_150 = tpu.memref_slice %arg3[%dma_start3A_144, %add3A_142, %dma_start3A_149] : memref<4x4096x1024xf32, #tpu.memory_space<hbm>> -> memref<1x64x1024xf32, #tpu.memory_space<hbm>>
    %dma_start3A_151 = tpu.memref_squeeze %dma_start3A_150 : memref<1x64x1024xf32, #tpu.memory_space<hbm>> -> memref<64x1024xf32, #tpu.memory_space<hbm>>
    %dma_start3A_152 = arith.constant 0 : i32
    %dma_start3A_153 = tpu.memref_slice %arg3[%dma_start3A_144, %add3A_142, %dma_start3A_152] : memref<4x4096x1024xf32, #tpu.memory_space<hbm>> -> memref<1x64x1024xf32, #tpu.memory_space<hbm>>
    %dma_start3A_154 = tpu.memref_squeeze %dma_start3A_153 : memref<1x64x1024xf32, #tpu.memory_space<hbm>> -> memref<64x1024xf32, #tpu.memory_space<hbm>>
    %dma_start3A_155 = arith.constant 0 : i32
    %dma_start3A_156 = arith.constant 0 : i32
    %dma_start3A_157 = tpu.memref_slice %arg4[%dma_start3A_143, %dma_start3A_155, %dma_start3A_156] : memref<2x64x1024xf32, #tpu.memory_space<vmem>> -> memref<1x64x1024xf32, #tpu.memory_space<vmem>>
    %dma_start3A_158 = tpu.memref_squeeze %dma_start3A_157 : memref<1x64x1024xf32, #tpu.memory_space<vmem>> -> memref<64x1024xf32, #tpu.memory_space<vmem>>
    tpu.enqueue_dma source(%dma_start3A_158 : memref<64x1024xf32, #tpu.memory_space<vmem>>) target(%dma_start3A_154 : memref<64x1024xf32, #tpu.memory_space<hbm>>) target_semaphore(%arg6 : memref<!tpu.dma_semaphore, #tpu.memory_space<semaphore_mem>>)
    %add3A_159 = arith.constant 64 : i32
    %add3A_160 = arith.addi %mul3A_2, %add3A_159 : i32
    %dma_start3A_161 = arith.constant 1 : i32
    %dma_start3A_162 = arith.constant 1 : i32
    %dma_start3A_163 = arith.constant 0 : i32
    %dma_start3A_164 = arith.constant 0 : i32
    %dma_start3A_165 = tpu.memref_slice %arg4[%dma_start3A_161, %dma_start3A_163, %dma_start3A_164] : memref<2x64x1024xf32, #tpu.memory_space<vmem>> -> memref<1x64x1024xf32, #tpu.memory_space<vmem>>
    %dma_start3A_166 = tpu.memref_squeeze %dma_start3A_165 : memref<1x64x1024xf32, #tpu.memory_space<vmem>> -> memref<64x1024xf32, #tpu.memory_space<vmem>>
    %dma_start3A_167 = arith.constant 0 : i32
    %dma_start3A_168 = tpu.memref_slice %arg3[%dma_start3A_162, %add3A_160, %dma_start3A_167] : memref<4x4096x1024xf32, #tpu.memory_space<hbm>> -> memref<1x64x1024xf32, #tpu.memory_space<hbm>>
    %dma_start3A_169 = tpu.memref_squeeze %dma_start3A_168 : memref<1x64x1024xf32, #tpu.memory_space<hbm>> -> memref<64x1024xf32, #tpu.memory_space<hbm>>
    %dma_start3A_170 = arith.constant 0 : i32
    %dma_start3A_171 = tpu.memref_slice %arg3[%dma_start3A_162, %add3A_160, %dma_start3A_170] : memref<4x4096x1024xf32, #tpu.memory_space<hbm>> -> memref<1x64x1024xf32, #tpu.memory_space<hbm>>
    %dma_start3A_172 = tpu.memref_squeeze %dma_start3A_171 : memref<1x64x1024xf32, #tpu.memory_space<hbm>> -> memref<64x1024xf32, #tpu.memory_space<hbm>>
    %dma_start3A_173 = arith.constant 0 : i32
    %dma_start3A_174 = arith.constant 0 : i32
    %dma_start3A_175 = tpu.memref_slice %arg4[%dma_start3A_161, %dma_start3A_173, %dma_start3A_174] : memref<2x64x1024xf32, #tpu.memory_space<vmem>> -> memref<1x64x1024xf32, #tpu.memory_space<vmem>>
    %dma_start3A_176 = tpu.memref_squeeze %dma_start3A_175 : memref<1x64x1024xf32, #tpu.memory_space<vmem>> -> memref<64x1024xf32, #tpu.memory_space<vmem>>
    tpu.enqueue_dma source(%dma_start3A_176 : memref<64x1024xf32, #tpu.memory_space<vmem>>) target(%dma_start3A_172 : memref<64x1024xf32, #tpu.memory_space<hbm>>) target_semaphore(%arg6 : memref<!tpu.dma_semaphore, #tpu.memory_space<semaphore_mem>>)
    %add3A_177 = arith.constant 64 : i32
    %add3A_178 = arith.addi %mul3A_2, %add3A_177 : i32
    %dma_start3A_179 = arith.constant 1 : i32
    %dma_start3A_180 = arith.constant 2 : i32
    %dma_start3A_181 = arith.constant 0 : i32
    %dma_start3A_182 = arith.constant 0 : i32
    %dma_start3A_183 = tpu.memref_slice %arg4[%dma_start3A_179, %dma_start3A_181, %dma_start3A_182] : memref<2x64x1024xf32, #tpu.memory_space<vmem>> -> memref<1x64x1024xf32, #tpu.memory_space<vmem>>
    %dma_start3A_184 = tpu.memref_squeeze %dma_start3A_183 : memref<1x64x1024xf32, #tpu.memory_space<vmem>> -> memref<64x1024xf32, #tpu.memory_space<vmem>>
    %dma_start3A_185 = arith.constant 0 : i32
    %dma_start3A_186 = tpu.memref_slice %arg3[%dma_start3A_180, %add3A_178, %dma_start3A_185] : memref<4x4096x1024xf32, #tpu.memory_space<hbm>> -> memref<1x64x1024xf32, #tpu.memory_space<hbm>>
    %dma_start3A_187 = tpu.memref_squeeze %dma_start3A_186 : memref<1x64x1024xf32, #tpu.memory_space<hbm>> -> memref<64x1024xf32, #tpu.memory_space<hbm>>
    %dma_start3A_188 = arith.constant 0 : i32
    %dma_start3A_189 = tpu.memref_slice %arg3[%dma_start3A_180, %add3A_178, %dma_start3A_188] : memref<4x4096x1024xf32, #tpu.memory_space<hbm>> -> memref<1x64x1024xf32, #tpu.memory_space<hbm>>
    %dma_start3A_190 = tpu.memref_squeeze %dma_start3A_189 : memref<1x64x1024xf32, #tpu.memory_space<hbm>> -> memref<64x1024xf32, #tpu.memory_space<hbm>>
    %dma_start3A_191 = arith.constant 0 : i32
    %dma_start3A_192 = arith.constant 0 : i32
    %dma_start3A_193 = tpu.memref_slice %arg4[%dma_start3A_179, %dma_start3A_191, %dma_start3A_192] : memref<2x64x1024xf32, #tpu.memory_space<vmem>> -> memref<1x64x1024xf32, #tpu.memory_space<vmem>>
    %dma_start3A_194 = tpu.memref_squeeze %dma_start3A_193 : memref<1x64x1024xf32, #tpu.memory_space<vmem>> -> memref<64x1024xf32, #tpu.memory_space<vmem>>
    tpu.enqueue_dma source(%dma_start3A_194 : memref<64x1024xf32, #tpu.memory_space<vmem>>) target(%dma_start3A_190 : memref<64x1024xf32, #tpu.memory_space<hbm>>) target_semaphore(%arg6 : memref<!tpu.dma_semaphore, #tpu.memory_space<semaphore_mem>>)
    %add3A_195 = arith.constant 64 : i32
    %add3A_196 = arith.addi %mul3A_2, %add3A_195 : i32
    %dma_start3A_197 = arith.constant 1 : i32
    %dma_start3A_198 = arith.constant 3 : i32
    %dma_start3A_199 = arith.constant 0 : i32
    %dma_start3A_200 = arith.constant 0 : i32
    %dma_start3A_201 = tpu.memref_slice %arg4[%dma_start3A_197, %dma_start3A_199, %dma_start3A_200] : memref<2x64x1024xf32, #tpu.memory_space<vmem>> -> memref<1x64x1024xf32, #tpu.memory_space<vmem>>
    %dma_start3A_202 = tpu.memref_squeeze %dma_start3A_201 : memref<1x64x1024xf32, #tpu.memory_space<vmem>> -> memref<64x1024xf32, #tpu.memory_space<vmem>>
    %dma_start3A_203 = arith.constant 0 : i32
    %dma_start3A_204 = tpu.memref_slice %arg3[%dma_start3A_198, %add3A_196, %dma_start3A_203] : memref<4x4096x1024xf32, #tpu.memory_space<hbm>> -> memref<1x64x1024xf32, #tpu.memory_space<hbm>>
    %dma_start3A_205 = tpu.memref_squeeze %dma_start3A_204 : memref<1x64x1024xf32, #tpu.memory_space<hbm>> -> memref<64x1024xf32, #tpu.memory_space<hbm>>
    %dma_start3A_206 = arith.constant 0 : i32
    %dma_start3A_207 = tpu.memref_slice %arg3[%dma_start3A_198, %add3A_196, %dma_start3A_206] : memref<4x4096x1024xf32, #tpu.memory_space<hbm>> -> memref<1x64x1024xf32, #tpu.memory_space<hbm>>
    %dma_start3A_208 = tpu.memref_squeeze %dma_start3A_207 : memref<1x64x1024xf32, #tpu.memory_space<hbm>> -> memref<64x1024xf32, #tpu.memory_space<hbm>>
    %dma_start3A_209 = arith.constant 0 : i32
    %dma_start3A_210 = arith.constant 0 : i32
    %dma_start3A_211 = tpu.memref_slice %arg4[%dma_start3A_197, %dma_start3A_209, %dma_start3A_210] : memref<2x64x1024xf32, #tpu.memory_space<vmem>> -> memref<1x64x1024xf32, #tpu.memory_space<vmem>>
    %dma_start3A_212 = tpu.memref_squeeze %dma_start3A_211 : memref<1x64x1024xf32, #tpu.memory_space<vmem>> -> memref<64x1024xf32, #tpu.memory_space<vmem>>
    tpu.enqueue_dma source(%dma_start3A_212 : memref<64x1024xf32, #tpu.memory_space<vmem>>) target(%dma_start3A_208 : memref<64x1024xf32, #tpu.memory_space<hbm>>) target_semaphore(%arg6 : memref<!tpu.dma_semaphore, #tpu.memory_space<semaphore_mem>>)
    %dma_wait3A_213 = arith.constant 0 : i32
    %dma_wait3A_214 = arith.constant 0 : i32
    %dma_wait3A_215 = arith.constant 0 : i32
    %dma_wait3A_216 = arith.constant 0 : i32
    %dma_wait3A_217 = tpu.memref_slice %arg4[%dma_wait3A_213, %dma_wait3A_215, %dma_wait3A_216] : memref<2x64x1024xf32, #tpu.memory_space<vmem>> -> memref<1x64x1024xf32, #tpu.memory_space<vmem>>
    %dma_wait3A_218 = tpu.memref_squeeze %dma_wait3A_217 : memref<1x64x1024xf32, #tpu.memory_space<vmem>> -> memref<64x1024xf32, #tpu.memory_space<vmem>>
    %dma_wait3A_219 = arith.constant 0 : i32
    %dma_wait3A_220 = tpu.memref_slice %arg3[%dma_wait3A_214, %add3A_54, %dma_wait3A_219] : memref<4x4096x1024xf32, #tpu.memory_space<hbm>> -> memref<1x64x1024xf32, #tpu.memory_space<hbm>>
    %dma_wait3A_221 = tpu.memref_squeeze %dma_wait3A_220 : memref<1x64x1024xf32, #tpu.memory_space<hbm>> -> memref<64x1024xf32, #tpu.memory_space<hbm>>
    %dma_wait3A_222 = arith.constant 0 : i32
    %dma_wait3A_223 = tpu.memref_slice %arg3[%dma_wait3A_214, %add3A_54, %dma_wait3A_222] : memref<4x4096x1024xf32, #tpu.memory_space<hbm>> -> memref<1x64x1024xf32, #tpu.memory_space<hbm>>
    %dma_wait3A_224 = tpu.memref_squeeze %dma_wait3A_223 : memref<1x64x1024xf32, #tpu.memory_space<hbm>> -> memref<64x1024xf32, #tpu.memory_space<hbm>>
    %dma_wait3A_225 = arith.constant 0 : i32
    %dma_wait3A_226 = arith.constant 0 : i32
    %dma_wait3A_227 = tpu.memref_slice %arg4[%dma_wait3A_213, %dma_wait3A_225, %dma_wait3A_226] : memref<2x64x1024xf32, #tpu.memory_space<vmem>> -> memref<1x64x1024xf32, #tpu.memory_space<vmem>>
    %dma_wait3A_228 = tpu.memref_squeeze %dma_wait3A_227 : memref<1x64x1024xf32, #tpu.memory_space<vmem>> -> memref<64x1024xf32, #tpu.memory_space<vmem>>
    tpu.wait_dma2 semaphore(%arg6 : memref<!tpu.dma_semaphore, #tpu.memory_space<semaphore_mem>>) src(%dma_wait3A_228 : memref<64x1024xf32, #tpu.memory_space<vmem>>) dst(%dma_wait3A_224 : memref<64x1024xf32, #tpu.memory_space<hbm>>)
    %dma_wait3A_229 = arith.constant 0 : i32
    %dma_wait3A_230 = arith.constant 1 : i32
    %dma_wait3A_231 = arith.constant 0 : i32
    %dma_wait3A_232 = arith.constant 0 : i32
    %dma_wait3A_233 = tpu.memref_slice %arg4[%dma_wait3A_229, %dma_wait3A_231, %dma_wait3A_232] : memref<2x64x1024xf32, #tpu.memory_space<vmem>> -> memref<1x64x1024xf32, #tpu.memory_space<vmem>>
    %dma_wait3A_234 = tpu.memref_squeeze %dma_wait3A_233 : memref<1x64x1024xf32, #tpu.memory_space<vmem>> -> memref<64x1024xf32, #tpu.memory_space<vmem>>
    %dma_wait3A_235 = arith.constant 0 : i32
    %dma_wait3A_236 = tpu.memref_slice %arg3[%dma_wait3A_230, %add3A_72, %dma_wait3A_235] : memref<4x4096x1024xf32, #tpu.memory_space<hbm>> -> memref<1x64x1024xf32, #tpu.memory_space<hbm>>
    %dma_wait3A_237 = tpu.memref_squeeze %dma_wait3A_236 : memref<1x64x1024xf32, #tpu.memory_space<hbm>> -> memref<64x1024xf32, #tpu.memory_space<hbm>>
    %dma_wait3A_238 = arith.constant 0 : i32
    %dma_wait3A_239 = tpu.memref_slice %arg3[%dma_wait3A_230, %add3A_72, %dma_wait3A_238] : memref<4x4096x1024xf32, #tpu.memory_space<hbm>> -> memref<1x64x1024xf32, #tpu.memory_space<hbm>>
    %dma_wait3A_240 = tpu.memref_squeeze %dma_wait3A_239 : memref<1x64x1024xf32, #tpu.memory_space<hbm>> -> memref<64x1024xf32, #tpu.memory_space<hbm>>
    %dma_wait3A_241 = arith.constant 0 : i32
    %dma_wait3A_242 = arith.constant 0 : i32
    %dma_wait3A_243 = tpu.memref_slice %arg4[%dma_wait3A_229, %dma_wait3A_241, %dma_wait3A_242] : memref<2x64x1024xf32, #tpu.memory_space<vmem>> -> memref<1x64x1024xf32, #tpu.memory_space<vmem>>
    %dma_wait3A_244 = tpu.memref_squeeze %dma_wait3A_243 : memref<1x64x1024xf32, #tpu.memory_space<vmem>> -> memref<64x1024xf32, #tpu.memory_space<vmem>>
    tpu.wait_dma2 semaphore(%arg6 : memref<!tpu.dma_semaphore, #tpu.memory_space<semaphore_mem>>) src(%dma_wait3A_244 : memref<64x1024xf32, #tpu.memory_space<vmem>>) dst(%dma_wait3A_240 : memref<64x1024xf32, #tpu.memory_space<hbm>>)
    %dma_wait3A_245 = arith.constant 0 : i32
    %dma_wait3A_246 = arith.constant 2 : i32
    %dma_wait3A_247 = arith.constant 0 : i32
    %dma_wait3A_248 = arith.constant 0 : i32
    %dma_wait3A_249 = tpu.memref_slice %arg4[%dma_wait3A_245, %dma_wait3A_247, %dma_wait3A_248] : memref<2x64x1024xf32, #tpu.memory_space<vmem>> -> memref<1x64x1024xf32, #tpu.memory_space<vmem>>
    %dma_wait3A_250 = tpu.memref_squeeze %dma_wait3A_249 : memref<1x64x1024xf32, #tpu.memory_space<vmem>> -> memref<64x1024xf32, #tpu.memory_space<vmem>>
    %dma_wait3A_251 = arith.constant 0 : i32
    %dma_wait3A_252 = tpu.memref_slice %arg3[%dma_wait3A_246, %add3A_90, %dma_wait3A_251] : memref<4x4096x1024xf32, #tpu.memory_space<hbm>> -> memref<1x64x1024xf32, #tpu.memory_space<hbm>>
    %dma_wait3A_253 = tpu.memref_squeeze %dma_wait3A_252 : memref<1x64x1024xf32, #tpu.memory_space<hbm>> -> memref<64x1024xf32, #tpu.memory_space<hbm>>
    %dma_wait3A_254 = arith.constant 0 : i32
    %dma_wait3A_255 = tpu.memref_slice %arg3[%dma_wait3A_246, %add3A_90, %dma_wait3A_254] : memref<4x4096x1024xf32, #tpu.memory_space<hbm>> -> memref<1x64x1024xf32, #tpu.memory_space<hbm>>
    %dma_wait3A_256 = tpu.memref_squeeze %dma_wait3A_255 : memref<1x64x1024xf32, #tpu.memory_space<hbm>> -> memref<64x1024xf32, #tpu.memory_space<hbm>>
    %dma_wait3A_257 = arith.constant 0 : i32
    %dma_wait3A_258 = arith.constant 0 : i32
    %dma_wait3A_259 = tpu.memref_slice %arg4[%dma_wait3A_245, %dma_wait3A_257, %dma_wait3A_258] : memref<2x64x1024xf32, #tpu.memory_space<vmem>> -> memref<1x64x1024xf32, #tpu.memory_space<vmem>>
    %dma_wait3A_260 = tpu.memref_squeeze %dma_wait3A_259 : memref<1x64x1024xf32, #tpu.memory_space<vmem>> -> memref<64x1024xf32, #tpu.memory_space<vmem>>
    tpu.wait_dma2 semaphore(%arg6 : memref<!tpu.dma_semaphore, #tpu.memory_space<semaphore_mem>>) src(%dma_wait3A_260 : memref<64x1024xf32, #tpu.memory_space<vmem>>) dst(%dma_wait3A_256 : memref<64x1024xf32, #tpu.memory_space<hbm>>)
    %dma_wait3A_261 = arith.constant 0 : i32
    %dma_wait3A_262 = arith.constant 3 : i32
    %dma_wait3A_263 = arith.constant 0 : i32
    %dma_wait3A_264 = arith.constant 0 : i32
    %dma_wait3A_265 = tpu.memref_slice %arg4[%dma_wait3A_261, %dma_wait3A_263, %dma_wait3A_264] : memref<2x64x1024xf32, #tpu.memory_space<vmem>> -> memref<1x64x1024xf32, #tpu.memory_space<vmem>>
    %dma_wait3A_266 = tpu.memref_squeeze %dma_wait3A_265 : memref<1x64x1024xf32, #tpu.memory_space<vmem>> -> memref<64x1024xf32, #tpu.memory_space<vmem>>
    %dma_wait3A_267 = arith.constant 0 : i32
    %dma_wait3A_268 = tpu.memref_slice %arg3[%dma_wait3A_262, %add3A_108, %dma_wait3A_267] : memref<4x4096x1024xf32, #tpu.memory_space<hbm>> -> memref<1x64x1024xf32, #tpu.memory_space<hbm>>
    %dma_wait3A_269 = tpu.memref_squeeze %dma_wait3A_268 : memref<1x64x1024xf32, #tpu.memory_space<hbm>> -> memref<64x1024xf32, #tpu.memory_space<hbm>>
    %dma_wait3A_270 = arith.constant 0 : i32
    %dma_wait3A_271 = tpu.memref_slice %arg3[%dma_wait3A_262, %add3A_108, %dma_wait3A_270] : memref<4x4096x1024xf32, #tpu.memory_space<hbm>> -> memref<1x64x1024xf32, #tpu.memory_space<hbm>>
    %dma_wait3A_272 = tpu.memref_squeeze %dma_wait3A_271 : memref<1x64x1024xf32, #tpu.memory_space<hbm>> -> memref<64x1024xf32, #tpu.memory_space<hbm>>
    %dma_wait3A_273 = arith.constant 0 : i32
    %dma_wait3A_274 = arith.constant 0 : i32
    %dma_wait3A_275 = tpu.memref_slice %arg4[%dma_wait3A_261, %dma_wait3A_273, %dma_wait3A_274] : memref<2x64x1024xf32, #tpu.memory_space<vmem>> -> memref<1x64x1024xf32, #tpu.memory_space<vmem>>
    %dma_wait3A_276 = tpu.memref_squeeze %dma_wait3A_275 : memref<1x64x1024xf32, #tpu.memory_space<vmem>> -> memref<64x1024xf32, #tpu.memory_space<vmem>>
    tpu.wait_dma2 semaphore(%arg6 : memref<!tpu.dma_semaphore, #tpu.memory_space<semaphore_mem>>) src(%dma_wait3A_276 : memref<64x1024xf32, #tpu.memory_space<vmem>>) dst(%dma_wait3A_272 : memref<64x1024xf32, #tpu.memory_space<hbm>>)
    %dma_wait3A_277 = arith.constant 1 : i32
    %dma_wait3A_278 = arith.constant 0 : i32
    %dma_wait3A_279 = arith.constant 0 : i32
    %dma_wait3A_280 = arith.constant 0 : i32
    %dma_wait3A_281 = tpu.memref_slice %arg4[%dma_wait3A_277, %dma_wait3A_279, %dma_wait3A_280] : memref<2x64x1024xf32, #tpu.memory_space<vmem>> -> memref<1x64x1024xf32, #tpu.memory_space<vmem>>
    %dma_wait3A_282 = tpu.memref_squeeze %dma_wait3A_281 : memref<1x64x1024xf32, #tpu.memory_space<vmem>> -> memref<64x1024xf32, #tpu.memory_space<vmem>>
    %dma_wait3A_283 = arith.constant 0 : i32
    %dma_wait3A_284 = tpu.memref_slice %arg3[%dma_wait3A_278, %add3A_142, %dma_wait3A_283] : memref<4x4096x1024xf32, #tpu.memory_space<hbm>> -> memref<1x64x1024xf32, #tpu.memory_space<hbm>>
    %dma_wait3A_285 = tpu.memref_squeeze %dma_wait3A_284 : memref<1x64x1024xf32, #tpu.memory_space<hbm>> -> memref<64x1024xf32, #tpu.memory_space<hbm>>
    %dma_wait3A_286 = arith.constant 0 : i32
    %dma_wait3A_287 = tpu.memref_slice %arg3[%dma_wait3A_278, %add3A_142, %dma_wait3A_286] : memref<4x4096x1024xf32, #tpu.memory_space<hbm>> -> memref<1x64x1024xf32, #tpu.memory_space<hbm>>
    %dma_wait3A_288 = tpu.memref_squeeze %dma_wait3A_287 : memref<1x64x1024xf32, #tpu.memory_space<hbm>> -> memref<64x1024xf32, #tpu.memory_space<hbm>>
    %dma_wait3A_289 = arith.constant 0 : i32
    %dma_wait3A_290 = arith.constant 0 : i32
    %dma_wait3A_291 = tpu.memref_slice %arg4[%dma_wait3A_277, %dma_wait3A_289, %dma_wait3A_290] : memref<2x64x1024xf32, #tpu.memory_space<vmem>> -> memref<1x64x1024xf32, #tpu.memory_space<vmem>>
    %dma_wait3A_292 = tpu.memref_squeeze %dma_wait3A_291 : memref<1x64x1024xf32, #tpu.memory_space<vmem>> -> memref<64x1024xf32, #tpu.memory_space<vmem>>
    tpu.wait_dma2 semaphore(%arg6 : memref<!tpu.dma_semaphore, #tpu.memory_space<semaphore_mem>>) src(%dma_wait3A_292 : memref<64x1024xf32, #tpu.memory_space<vmem>>) dst(%dma_wait3A_288 : memref<64x1024xf32, #tpu.memory_space<hbm>>)
    %dma_wait3A_293 = arith.constant 1 : i32
    %dma_wait3A_294 = arith.constant 1 : i32
    %dma_wait3A_295 = arith.constant 0 : i32
    %dma_wait3A_296 = arith.constant 0 : i32
    %dma_wait3A_297 = tpu.memref_slice %arg4[%dma_wait3A_293, %dma_wait3A_295, %dma_wait3A_296] : memref<2x64x1024xf32, #tpu.memory_space<vmem>> -> memref<1x64x1024xf32, #tpu.memory_space<vmem>>
    %dma_wait3A_298 = tpu.memref_squeeze %dma_wait3A_297 : memref<1x64x1024xf32, #tpu.memory_space<vmem>> -> memref<64x1024xf32, #tpu.memory_space<vmem>>
    %dma_wait3A_299 = arith.constant 0 : i32
    %dma_wait3A_300 = tpu.memref_slice %arg3[%dma_wait3A_294, %add3A_160, %dma_wait3A_299] : memref<4x4096x1024xf32, #tpu.memory_space<hbm>> -> memref<1x64x1024xf32, #tpu.memory_space<hbm>>
    %dma_wait3A_301 = tpu.memref_squeeze %dma_wait3A_300 : memref<1x64x1024xf32, #tpu.memory_space<hbm>> -> memref<64x1024xf32, #tpu.memory_space<hbm>>
    %dma_wait3A_302 = arith.constant 0 : i32
    %dma_wait3A_303 = tpu.memref_slice %arg3[%dma_wait3A_294, %add3A_160, %dma_wait3A_302] : memref<4x4096x1024xf32, #tpu.memory_space<hbm>> -> memref<1x64x1024xf32, #tpu.memory_space<hbm>>
    %dma_wait3A_304 = tpu.memref_squeeze %dma_wait3A_303 : memref<1x64x1024xf32, #tpu.memory_space<hbm>> -> memref<64x1024xf32, #tpu.memory_space<hbm>>
    %dma_wait3A_305 = arith.constant 0 : i32
    %dma_wait3A_306 = arith.constant 0 : i32
    %dma_wait3A_307 = tpu.memref_slice %arg4[%dma_wait3A_293, %dma_wait3A_305, %dma_wait3A_306] : memref<2x64x1024xf32, #tpu.memory_space<vmem>> -> memref<1x64x1024xf32, #tpu.memory_space<vmem>>
    %dma_wait3A_308 = tpu.memref_squeeze %dma_wait3A_307 : memref<1x64x1024xf32, #tpu.memory_space<vmem>> -> memref<64x1024xf32, #tpu.memory_space<vmem>>
    tpu.wait_dma2 semaphore(%arg6 : memref<!tpu.dma_semaphore, #tpu.memory_space<semaphore_mem>>) src(%dma_wait3A_308 : memref<64x1024xf32, #tpu.memory_space<vmem>>) dst(%dma_wait3A_304 : memref<64x1024xf32, #tpu.memory_space<hbm>>)
    %dma_wait3A_309 = arith.constant 1 : i32
    %dma_wait3A_310 = arith.constant 2 : i32
    %dma_wait3A_311 = arith.constant 0 : i32
    %dma_wait3A_312 = arith.constant 0 : i32
    %dma_wait3A_313 = tpu.memref_slice %arg4[%dma_wait3A_309, %dma_wait3A_311, %dma_wait3A_312] : memref<2x64x1024xf32, #tpu.memory_space<vmem>> -> memref<1x64x1024xf32, #tpu.memory_space<vmem>>
    %dma_wait3A_314 = tpu.memref_squeeze %dma_wait3A_313 : memref<1x64x1024xf32, #tpu.memory_space<vmem>> -> memref<64x1024xf32, #tpu.memory_space<vmem>>
    %dma_wait3A_315 = arith.constant 0 : i32
    %dma_wait3A_316 = tpu.memref_slice %arg3[%dma_wait3A_310, %add3A_178, %dma_wait3A_315] : memref<4x4096x1024xf32, #tpu.memory_space<hbm>> -> memref<1x64x1024xf32, #tpu.memory_space<hbm>>
    %dma_wait3A_317 = tpu.memref_squeeze %dma_wait3A_316 : memref<1x64x1024xf32, #tpu.memory_space<hbm>> -> memref<64x1024xf32, #tpu.memory_space<hbm>>
    %dma_wait3A_318 = arith.constant 0 : i32
    %dma_wait3A_319 = tpu.memref_slice %arg3[%dma_wait3A_310, %add3A_178, %dma_wait3A_318] : memref<4x4096x1024xf32, #tpu.memory_space<hbm>> -> memref<1x64x1024xf32, #tpu.memory_space<hbm>>
    %dma_wait3A_320 = tpu.memref_squeeze %dma_wait3A_319 : memref<1x64x1024xf32, #tpu.memory_space<hbm>> -> memref<64x1024xf32, #tpu.memory_space<hbm>>
    %dma_wait3A_321 = arith.constant 0 : i32
    %dma_wait3A_322 = arith.constant 0 : i32
    %dma_wait3A_323 = tpu.memref_slice %arg4[%dma_wait3A_309, %dma_wait3A_321, %dma_wait3A_322] : memref<2x64x1024xf32, #tpu.memory_space<vmem>> -> memref<1x64x1024xf32, #tpu.memory_space<vmem>>
    %dma_wait3A_324 = tpu.memref_squeeze %dma_wait3A_323 : memref<1x64x1024xf32, #tpu.memory_space<vmem>> -> memref<64x1024xf32, #tpu.memory_space<vmem>>
    tpu.wait_dma2 semaphore(%arg6 : memref<!tpu.dma_semaphore, #tpu.memory_space<semaphore_mem>>) src(%dma_wait3A_324 : memref<64x1024xf32, #tpu.memory_space<vmem>>) dst(%dma_wait3A_320 : memref<64x1024xf32, #tpu.memory_space<hbm>>)
    %dma_wait3A_325 = arith.constant 1 : i32
    %dma_wait3A_326 = arith.constant 3 : i32
    %dma_wait3A_327 = arith.constant 0 : i32
    %dma_wait3A_328 = arith.constant 0 : i32
    %dma_wait3A_329 = tpu.memref_slice %arg4[%dma_wait3A_325, %dma_wait3A_327, %dma_wait3A_328] : memref<2x64x1024xf32, #tpu.memory_space<vmem>> -> memref<1x64x1024xf32, #tpu.memory_space<vmem>>
    %dma_wait3A_330 = tpu.memref_squeeze %dma_wait3A_329 : memref<1x64x1024xf32, #tpu.memory_space<vmem>> -> memref<64x1024xf32, #tpu.memory_space<vmem>>
    %dma_wait3A_331 = arith.constant 0 : i32
    %dma_wait3A_332 = tpu.memref_slice %arg3[%dma_wait3A_326, %add3A_196, %dma_wait3A_331] : memref<4x4096x1024xf32, #tpu.memory_space<hbm>> -> memref<1x64x1024xf32, #tpu.memory_space<hbm>>
    %dma_wait3A_333 = tpu.memref_squeeze %dma_wait3A_332 : memref<1x64x1024xf32, #tpu.memory_space<hbm>> -> memref<64x1024xf32, #tpu.memory_space<hbm>>
    %dma_wait3A_334 = arith.constant 0 : i32
    %dma_wait3A_335 = tpu.memref_slice %arg3[%dma_wait3A_326, %add3A_196, %dma_wait3A_334] : memref<4x4096x1024xf32, #tpu.memory_space<hbm>> -> memref<1x64x1024xf32, #tpu.memory_space<hbm>>
    %dma_wait3A_336 = tpu.memref_squeeze %dma_wait3A_335 : memref<1x64x1024xf32, #tpu.memory_space<hbm>> -> memref<64x1024xf32, #tpu.memory_space<hbm>>
    %dma_wait3A_337 = arith.constant 0 : i32
    %dma_wait3A_338 = arith.constant 0 : i32
    %dma_wait3A_339 = tpu.memref_slice %arg4[%dma_wait3A_325, %dma_wait3A_337, %dma_wait3A_338] : memref<2x64x1024xf32, #tpu.memory_space<vmem>> -> memref<1x64x1024xf32, #tpu.memory_space<vmem>>
    %dma_wait3A_340 = tpu.memref_squeeze %dma_wait3A_339 : memref<1x64x1024xf32, #tpu.memory_space<vmem>> -> memref<64x1024xf32, #tpu.memory_space<vmem>>
    tpu.wait_dma2 semaphore(%arg6 : memref<!tpu.dma_semaphore, #tpu.memory_space<semaphore_mem>>) src(%dma_wait3A_340 : memref<64x1024xf32, #tpu.memory_space<vmem>>) dst(%dma_wait3A_336 : memref<64x1024xf32, #tpu.memory_space<hbm>>)
    return
  }
}

</mosaic_0001>

<sc_bundles>
// kernel: kernel.3.cloned.1.call-start
scs
__scs_entry_jumppad:
0x0: {  	(pc) =	sbr.rel $0x88, $3  }
0x1: {  	(tag) =	ssettag $0x0;
	lr =	simm.s32 $0x1  }
0x2: {  	[smem:$0x3FA0] =	sst lr;
	_ =	strace $0xD0000000  }
0x3: {  	_ = 	snop  }
0x4: {  	_ = 	snop  }
0x5: {  	_ = 	snop  }
0x6: {  	_ = 	snop  }
0x7: {  	_ = 	snop  }
__scs_overlays_trampoline_lowered:
0x8: {  	[smem:$0x3FAF] =	sst s0  }
0x9: {  	[smem:$0x3FB0] =	sst s1  }
0xa: {  	[smem:$0x3FB1] =	sst s2  }
0xb: {  	[smem:$0x3FB2] =	sst s3  }
0xc: {  	[smem:$0x3FB3] =	sst s4  }
0xd: {  	[smem:$0x3FB4] =	sst s5  }
0xe: {  	[smem:$0x3FB5] =	sst s6  }
0xf: {  	[smem:$0x3FB6] =	sst s7  }
0x10: {  	[smem:$0x3FB7] =	sst s8  }
0x11: {  	[smem:$0x3FB8] =	sst s9;
	s0 =	simm.s32 @!p0 $0x0  }
0x12: {  	s1 =	sld [smem:$0x3F9E];
	s0 =	simm.s32 @p0 $0x1  }
0x13: {  	[smem:$0x3FB9] =	sst s0;
	s0 =	simm.s32 @!p1 $0x0  }
0x14: {  	s2 =	sld [smem:$0x3F9D];
	s0 =	simm.s32 @p1 $0x1  }
0x15: {  	[smem:$0x3FBA] =	sst s0;
	s0 =	simm.s32 @!p2 $0x0  }
0x16: {  	s3 =	sld [smem:$0x3FDB];
	s0 =	simm.s32 @p2 $0x1  }
0x17: {  	s4 =	simm.s32 $0x1BF5;
	[smem:$0x3FBC] =	sst s0  }
0x18: {  	s0 =	sld [smem:$0x3F9F];
	_ =	swait.ge [sflag:s4], $0x0  }
0x19: {  	s7 =	sld [smem:$0x3FA0]  }
0x1a: {  	s8 =	sadd.s32 $0xFFFFE003, lr  }
0x1b: {  	s9 =	sadd.s32 $0xFFFFFEF7, lr;
	s5 =	simm.s32 $0xFFFFFFFF;
	p2 =	slt.u32 s8, $0xFFFFF086  }
0x1c: {  	p1 =	slt.u32 s9, $0xF7A;
	s5 =	simm.s32 @!p2 $0x0  }
0x1d: {  	s5 =	simm.s32 @p1 $0x1;
	p0 =	seq.s32 s7, s2  }
0x1e: {  	s7 =	smul.u32 @!p0 $0xF7A, s2;
	p2 =	seq.s32 @!p0 s5, $0x0  }
0x1f: {  	s9 =	smul.u32 $0xF7A, s1;
	s8 =	simm.s32 @!p0 $0x1BF5;
	p2 =	por !p2, p0  }
0x20: {  	[sflag:s8] =	ssyncset.s32 @!p0 $0xFFFFF086;
	s6 =	sadd.s32 @!p0 s3, s7;
	s7 =	simm.s32 @!p0 $0x108  }
0x21: {  	s3 =	sadd.s32 s3, s9;
	s6 =	sadd.s32 @!p0 $0x88, s6;
	s7 =	simm.s32 @p2 $0x1082  }
0x22: {  	[simem:s7], [sflag:s8] =	dma.local @!p0 [hbm:s6], $0xF7A  }
0x23: {  	s9 =	sor.u32 $0xD0000000, s2;
	s6 =	simm.s32 $0x108;
	_ =	swait.ge @!p0 [sflag:s8], $0x0  }
0x24: {  	s3 =	sadd.s32 $0x88, s3;
	s6 =	simm.s32 @!p1 $0x1082;
	[sflag:s4] =	ssyncset.s32 $0xFFFFF086  }
0x25: {  	[simem:s6], [sflag:s4] =	dma.local [hbm:s3], $0xF7A  }
0x26: {  	[smem:$0x3FA0] =	sst s1;
	(tag) =	ssettag s2;
	_ =	strace s9  }
0x27: {  	s1 =	sld [smem:$0x3FB0]  }
0x28: {  	s2 =	sld [smem:$0x3FB1]  }
0x29: {  	s4 =	sld [smem:$0x3FB3]  }
0x2a: {  	p0 =	seq.s32 s5, $0x0;
	s5 =	sld [smem:$0x3FB4]  }
0x2b: {  	s6 =	sld [smem:$0x3FB5]  }
0x2c: {  	s7 =	sld [smem:$0x3FB6]  }
0x2d: {  	s3 =	simm.s32 $0x108;
	s8 =	sld [smem:$0x3FB7]  }
0x2e: {  	s3 =	simm.s32 @!p0 $0x1082;
	s9 =	sld [smem:$0x3FB8]  }
0x2f: {  	lr =	sadd.s32 s0, s3;
	s0 =	sld [smem:$0x3FAF]  }
0x30: {  	s3 =	sld [smem:$0x3FB2]  }
0x31: {  	[smem:$0x3FBB] =	sst s10  }
0x32: {  	s10 =	sld [smem:$0x3FB9];
	_ =	sdelay $0x3  }
0x33: {  	p0 =	seq.s32 s10, $0x1;
	s10 =	sld [smem:$0x3FBB];
	_ =	sdelay $0x3  }
0x34: {  	[smem:$0x3FBB] =	sst s10  }
0x35: {  	s10 =	sld [smem:$0x3FBA];
	_ =	sdelay $0x3  }
0x36: {  	p1 =	seq.s32 s10, $0x1;
	s10 =	sld [smem:$0x3FBB];
	_ =	sdelay $0x3  }
0x37: {  	[smem:$0x3FBB] =	sst s10  }
0x38: {  	s10 =	sld [smem:$0x3FBC]  }
0x39: {  	_ = 	snop;
	(pc) =	sbr.ind lr, $3  }
0x3a: {  	_ = 	snop  }
0x3b: {  	_ = 	snop  }
0x3c: {  	p2 =	seq.s32 s10, $0x1;
	s10 =	sld [smem:$0x3FBB]  }
0x3d: {  	_ =	shalt  }
0x3e: {  	_ =	shalt  }
0x3f: {  	_ =	shalt  }
0x40: {  	_ =	shalt  }
0x41: {  	_ =	shalt  }
0x42: {  	_ =	shalt  }
0x43: {  	_ =	shalt  }
0x44: {  	_ =	shalt  }
0x45: {  	_ =	shalt  }
0x46: {  	_ =	shalt  }
0x47: {  	_ =	shalt  }
0x48: {  	_ =	shalt  }
0x49: {  	_ =	shalt  }
0x4a: {  	_ =	shalt  }
0x4b: {  	_ =	shalt  }
0x4c: {  	_ =	shalt  }
0x4d: {  	_ =	shalt  }
0x4e: {  	_ =	shalt  }
0x4f: {  	_ =	shalt  }
0x50: {  	_ =	shalt  }
0x51: {  	_ =	shalt  }
0x52: {  	_ =	shalt  }
0x53: {  	_ =	shalt  }
0x54: {  	_ =	shalt  }
0x55: {  	_ =	shalt  }
0x56: {  	_ =	shalt  }
0x57: {  	_ =	shalt  }
0x58: {  	_ =	shalt  }
0x59: {  	_ =	shalt  }
0x5a: {  	_ =	shalt  }
0x5b: {  	_ =	shalt  }
0x5c: {  	_ =	shalt  }
0x5d: {  	_ =	shalt  }
0x5e: {  	_ =	shalt  }
0x5f: {  	_ =	shalt  }
0x60: {  	_ =	shalt  }
0x61: {  	_ =	shalt  }
0x62: {  	_ =	shalt  }
0x63: {  	_ =	shalt  }
0x64: {  	_ =	shalt  }
0x65: {  	_ =	shalt  }
0x66: {  	_ =	shalt  }
0x67: {  	_ =	shalt  }
0x68: {  	_ =	shalt  }
0x69: {  	_ =	shalt  }
0x6a: {  	_ =	shalt  }
0x6b: {  	_ =	shalt  }
0x6c: {  	_ =	shalt  }
0x6d: {  	_ =	shalt  }
0x6e: {  	_ =	shalt  }
0x6f: {  	_ =	shalt  }
0x70: {  	_ =	shalt  }
0x71: {  	_ =	shalt  }
0x72: {  	_ =	shalt  }
0x73: {  	_ =	shalt  }
0x74: {  	_ =	shalt  }
0x75: {  	_ =	shalt  }
0x76: {  	_ =	shalt  }
0x77: {  	_ =	shalt  }
0x78: {  	_ =	shalt  }
0x79: {  	_ =	shalt  }
0x7a: {  	_ =	shalt  }
0x7b: {  	_ =	shalt  }
0x7c: {  	_ =	shalt  }
0x7d: {  	_ =	shalt  }
0x7e: {  	_ =	shalt  }
0x7f: {  	_ =	shalt  }
0x80: {  	_ =	shalt  }
0x81: {  	_ =	shalt  }
0x82: {  	_ =	shalt  }
0x83: {  	_ =	shalt  }
0x84: {  	_ =	shalt  }
0x85: {  	_ =	shalt  }
0x86: {  	_ =	shalt  }
0x87: {  	_ =	shalt  }
.Lfunc_end0:
.L_simem_size_0:
called_computation_lowered:
.L_overlay_start_0:
0x88: {  	s2 =	sld [smem:$0x3FD9]  }
0x89: {  	s3 =	sld [smem:$0x3FFE];
	_ =	sdelay $0x1  }
0x8a: {  	s1 =	srdreg.scid  }
0x8b: {  	s0 =	sand.u32 $0x1, s1  }
0x8c: {  	s18 =	sshll.u32 s0, $0xA;
	s2 =	sadd.s32 s3, s2  }
0x8d: {  	s2 =	sadd.s32 s2, s18  }
0x8e: {  	[smem:$0x3FC7] =	sst s2  }
0x8f: {  	_ = 	snop  }
0x90: {  	s2 =	sld [smem:$0x3FC9]  }
0x91: {  	s19 =	sld [smem:$0x3FD0];
	(tm) =	ssettm $0x1  }
0x92: {  	s4 =	sld [smem:$0x3FFB];
	_ =	sdelay $0x3  }
0x93: {  	_ =	strace s4  }
0x94: {  	s4 =	sld [smem:$0x3FFC];
	_ =	sdelay $0x3  }
0x95: {  	_ =	strace s4  }
0x96: {  	s4 =	sld [smem:$0x3FFD];
	_ =	sdelay $0x3  }
0x97: {  	_ =	strace s4  }
0x98: {  	_ =	strace $0x8FFFFFFF  }
0x99: {  	s20 =	sld [smem:$0x3FDB];
	_ =	sdelay $0x1  }
0x9a: {  	s5 =	simm.s32 $_scs_section_size  }
0x9b: {  	s6 =	simm.s32 $_size__tile_overlayer_lowered;
	s7 =	simm.s32 $_tile_overlayer_lowered  }
0x9c: {  	s23 =	simm.s32 $0x1BFF;
	s22 =	sshll.u32 s7, $0x1;
	s4 =	sadd.s32 s5, s20  }
0x9d: {  	s8 =	simm.s32 $0x0;
	s21 =	sshll.u32 s6, $0x1;
	s6 =	sadd.s32 s22, s4  }
0x9e: {  	[timem:s8], [sflag:s23] =	dma.local [hbm:s6], s21  }
0x9f: {  	_ =	swait.ge [sflag:s23], s21  }
0xa0: {  	s5 =	ssub.s32 $0x0, s21;
	[sflag:s23] =	ssyncset.done $0x0  }
0xa1: {  	[sflag:s23] =	ssyncadd.s32 s5;
	_ =	sdelay $0x1  }
0xa2: {  	s24 =	simm.s32 $0x1B8B  }
0xa3: {  	_ =	swait.ge [sflag:s24], $0x1  }
0xa4: {  	[sflag:s24] =	ssyncset.done $0x0  }
0xa5: {  	s25 =	simm.s32 $0x1B8E;
	[sflag:s24] =	ssyncadd.s32 $0xFFFFFFFF  }
0xa6: {  	s26 =	simm.s32 $execute0_lowered;
	[smem:$0x3FD2] =	sst s25  }
0xa7: {  	s5 =	sshll.u32 s26, $0x1;
	_ =	strace $0x80000046;
	[dreg:$0x1] =	wrdreg $0xFFFFFFFF  }
0xa8: {  	s28 =	simm.s32 $_size_execute0_lowered;
	s4 =	sadd.s32 s4, s5;
	[dreg:$0x0] =	wrdreg $0x0  }
0xa9: {  	s5 =	sshll.u32 s28, $0x1;
	[dreg:$0x2] =	wrdreg s4  }
0xaa: {  	[dreg:$0x3] =	wrdreg s5  }
0xab: {  	[dreg:$0x4] =	wrdreg $0xC0  }
0xac: {  	_ =	task [dreg:s8], $0x5FFFF  }
0xad: {  	[dreg:$0x1] =	wrdreg $0xFFFFFFFF  }
0xae: {  	[dreg:$0x0] =	wrdreg $0x60  }
0xaf: {  	[dreg:$0x2] =	wrdreg s2  }
0xb0: {  	[dreg:$0x3] =	wrdreg s19  }
0xb1: {  	[dreg:$0x4] =	wrdreg $0x9  }
0xb2: {  	_ =	task.clear_ibuf [dreg:s8], $0x5FFFF;
	_ =	strace $0x90000046  }
0xb3: {  	s29 =	simm.s32 $0x9;
	_ =	strace $0x80000048  }
0xb4: {  	_ =	swait.ge [sflag:s29], $0x1  }
0xb5: {  	[sflag:s29] =	ssyncadd.s32 $0xFFFFFFFF  }
0xb6: {  	_ =	strace $0x90000048  }
0xb7: {  	_ =	sfence  }
0xb8: {  	s30 =	sld [smem:$0x0];
	_ =	sdelay $0x2  }
0xb9: {  	s31 =	sshll.u32 s1, $0xD;
	s1 =	sshrl.u32 s1, $0x2  }
0xba: {  	s3 =	sand.u32 $0x4000, s31;
	s1 =	sadd.s32 s1, s30  }
0xbb: {  	s0 =	sor.u32 s3, s0;
	s1 =	sshll.u32 s1, $0x11  }
0xbc: {  	s0 =	sor.u32 s1, s0  }
0xbd: {  	s0 =	sadd.s32 $0x8F2B, s0  }
0xbe: {  	[sflag:s0] =	ssyncadd.remote.s32 $0x1  }
0xbf: {  	_ =	sfence.sel $0xFFFF  }
0xc0: {  	[dreg:$0x0] =	wrdreg $0xFFFFFFFF;
	(pc) =	sbr.abs _section_cstart, $3  }
0xc1: {  	[dreg:$0x1] =	wrdreg $0xFFFFFFFF  }
0xc2: {  	_ =	task.clear_ibuf [dreg:s8], $0x2FFFF;
	_ =	strace $0x9FFFFFFF  }
0xc3: {  	(tm) =	ssettm $0x7FFFFFFF  }
tec
execute0_lowered:
.L_overlay_start_1:
0x0: {  	(tag) =	ssettag $0x1  }
0x1: {  	s4 =	rddreg [dreg:$0x0]  }
0x2: {  	s12 =	rddreg [dreg:$0x1];
	s2 =	srdreg.scid  }
0x3: {  	s0 =	rddreg [dreg:$0x2];
	s1 =	stileid.u32;
	s17 =	sand.u32 $0x1, s2  }
0x4: {  	s2 =	simm.s32 $0x0;
	s3 =	sshll.u32 s1, $0xF;
	s5 =	sshll.u32 s17, $0xE  }
0x5: {  	[smem:$0x7FF] =	sst s2;
	s7 =	sor.u32 s5, s3  }
0x6: {  	_ =	strace $0x80000047;
	s3 =	sadd.s32 s4, s7;
	s13 =	sor.u32 $0x2000, s7  }
0x7: {  	[tilespmem:s2], [sflag:$0x1] =	stream.linear.gather [hbm4b:s3+s2], $0x10000, $0x38;
	v63 =	vld [tilespmem:$0x0]  }
0x8: {  	s6 =	simm.s32 $0x1;
	s5 =	simm.s32 $0x10000;
	s4 =	sadd.s32 s4, s13  }
0x9: {  	[tilespmem:s5], [sflag:$0x2] =	stream.linear.gather [hbm4b:s4+s2], $0x10000, $0x38;
	v63 =	vld [tilespmem:$0x0]  }
0xa: {  	_ =	swait.ge [sflag:s6], $0x10000  }
0xb: {  	[sflag:s6] =	ssyncset.done $0x0  }
0xc: {  	s7 =	sadd.s32 s12, s7;
	[sflag:s6] =	ssyncadd.s32 $0xFFFF0000  }
0xd: {  	[hbm4b:s7+s2] =	stream.linear.scatter [tilespmem:s2], [sflag:$0x3], $0x10000, $0x38;
	v63 =	vld [tilespmem:$0x0]  }
0xe: {  	s8 =	sadd.s32 $0x80000, s7  }
0xf: {  	[hbm4b:s8+s2] =	stream.linear.scatter [tilespmem:s2], [sflag:$0x3], $0x10000, $0x38;
	v63 =	vld [tilespmem:$0x0]  }
0x10: {  	s9 =	sadd.s32 $0x100000, s7  }
0x11: {  	[hbm4b:s9+s2] =	stream.linear.scatter [tilespmem:s2], [sflag:$0x3], $0x10000, $0x38;
	v63 =	vld [tilespmem:$0x0]  }
0x12: {  	s11 =	simm.s32 $0x2;
	s10 =	sadd.s32 $0x180000, s7  }
0x13: {  	[hbm4b:s10+s2] =	stream.linear.scatter [tilespmem:s2], [sflag:$0x3], $0x10000, $0x38;
	v63 =	vld [tilespmem:$0x0]  }
0x14: {  	_ =	swait.ge [sflag:s11], $0x10000  }
0x15: {  	[sflag:s11] =	ssyncset.done $0x0  }
0x16: {  	s12 =	sadd.s32 s12, s13;
	[sflag:s11] =	ssyncadd.s32 $0xFFFF0000  }
0x17: {  	[hbm4b:s12+s2] =	stream.linear.scatter [tilespmem:s5], [sflag:$0x3], $0x10000, $0x38;
	v63 =	vld [tilespmem:$0x0]  }
0x18: {  	s13 =	sadd.s32 $0x82000, s7  }
0x19: {  	[hbm4b:s13+s2] =	stream.linear.scatter [tilespmem:s5], [sflag:$0x3], $0x10000, $0x38;
	v63 =	vld [tilespmem:$0x0]  }
0x1a: {  	s14 =	sadd.s32 $0x102000, s7  }
0x1b: {  	[hbm4b:s14+s2] =	stream.linear.scatter [tilespmem:s5], [sflag:$0x3], $0x10000, $0x38;
	v63 =	vld [tilespmem:$0x0]  }
0x1c: {  	s15 =	simm.s32 $0x3;
	s16 =	sadd.s32 $0x182000, s7  }
0x1d: {  	[hbm4b:s16+s2] =	stream.linear.scatter [tilespmem:s5], [sflag:$0x3], $0x10000, $0x38;
	v63 =	vld [tilespmem:$0x0]  }
0x1e: {  	_ =	swait.ge [sflag:s15], $0x10000  }
0x1f: {  	[sflag:s15] =	ssyncset.done $0x0  }
0x20: {  	[sflag:s15] =	ssyncadd.s32 $0xFFFF0000  }
0x21: {  	_ =	swait.ge [sflag:s15], $0x10000  }
0x22: {  	[sflag:s15] =	ssyncset.done $0x0  }
0x23: {  	[sflag:s15] =	ssyncadd.s32 $0xFFFF0000  }
0x24: {  	_ =	swait.ge [sflag:s15], $0x10000  }
0x25: {  	[sflag:s15] =	ssyncset.done $0x0  }
0x26: {  	[sflag:s15] =	ssyncadd.s32 $0xFFFF0000  }
0x27: {  	_ =	swait.ge [sflag:s15], $0x10000  }
0x28: {  	[sflag:s15] =	ssyncset.done $0x0  }
0x29: {  	[sflag:s15] =	ssyncadd.s32 $0xFFFF0000  }
0x2a: {  	_ =	swait.ge [sflag:s15], $0x10000  }
0x2b: {  	s17 =	ssub.s32 $0x2, s17;
	[sflag:s15] =	ssyncset.done $0x0  }
0x2c: {  	s18 =	sshrl.u32 s17, $0x1;
	[sflag:s15] =	ssyncadd.s32 $0xFFFF0000  }
0x2d: {  	s17 =	ssub.s32 s17, s18;
	_ =	swait.ge [sflag:s15], $0x10000  }
0x2e: {  	s17 =	smax.u32 s17, $0x1;
	[sflag:s15] =	ssyncset.done $0x0  }
0x2f: {  	p0 =	sne.s32 s17, $0x1;
	[sflag:s15] =	ssyncadd.s32 $0xFFFF0000  }
.Ltmp0:
0x30: {  	_ =	swait.ge [sflag:s15], $0x10000;
	(pc) =	sbr.rel @!p0 .LBB2_2-.Ltmp0, $4  }
0x31: {  	[sflag:s15] =	ssyncset.done $0x0  }
0x32: {  	[sflag:s15] =	ssyncadd.s32 $0xFFFF0000  }
0x33: {  	_ =	swait.ge [sflag:s15], $0x10000  }
0x34: {  	s17 =	sadd.s32 $0xFFFFFFFF, s17;
	[sflag:s15] =	ssyncset.done $0x0  }
.LBB2_1:
0x35: {  	p0 =	sne.s32 s17, $0x1;
	s17 =	sadd.s32 $0xFFFFFFFF, s17;
	[sflag:s15] =	ssyncadd.s32 $0xFFFF0000  }
0x36: {  	[tilespmem:s2], [sflag:$0x1] =	stream.linear.gather [hbm4b:s3+s2], $0x10000, $0x38;
	v63 =	vld [tilespmem:$0x0]  }
0x37: {  	_ = 	snop  }
0x38: {  	[tilespmem:s5], [sflag:$0x2] =	stream.linear.gather [hbm4b:s4+s2], $0x10000, $0x38;
	v63 =	vld [tilespmem:$0x0]  }
0x39: {  	_ =	swait.ge [sflag:s6], $0x10000  }
0x3a: {  	[sflag:s6] =	ssyncset.done $0x0  }
0x3b: {  	[sflag:s6] =	ssyncadd.s32 $0xFFFF0000  }
0x3c: {  	[hbm4b:s7+s2] =	stream.linear.scatter [tilespmem:s2], [sflag:$0x3], $0x10000, $0x38;
	v63 =	vld [tilespmem:$0x0]  }
0x3d: {  	_ = 	snop  }
0x3e: {  	[hbm4b:s8+s2] =	stream.linear.scatter [tilespmem:s2], [sflag:$0x3], $0x10000, $0x38;
	v63 =	vld [tilespmem:$0x0]  }
0x3f: {  	_ = 	snop  }
0x40: {  	[hbm4b:s9+s2] =	stream.linear.scatter [tilespmem:s2], [sflag:$0x3], $0x10000, $0x38;
	v63 =	vld [tilespmem:$0x0]  }
0x41: {  	_ = 	snop  }
0x42: {  	[hbm4b:s10+s2] =	stream.linear.scatter [tilespmem:s2], [sflag:$0x3], $0x10000, $0x38;
	v63 =	vld [tilespmem:$0x0]  }
0x43: {  	_ =	swait.ge [sflag:s11], $0x10000  }
0x44: {  	[sflag:s11] =	ssyncset.done $0x0  }
0x45: {  	[sflag:s11] =	ssyncadd.s32 $0xFFFF0000  }
0x46: {  	[hbm4b:s12+s2] =	stream.linear.scatter [tilespmem:s5], [sflag:$0x3], $0x10000, $0x38;
	v63 =	vld [tilespmem:$0x0]  }
0x47: {  	_ = 	snop  }
0x48: {  	[hbm4b:s13+s2] =	stream.linear.scatter [tilespmem:s5], [sflag:$0x3], $0x10000, $0x38;
	v63 =	vld [tilespmem:$0x0]  }
0x49: {  	_ = 	snop  }
0x4a: {  	[hbm4b:s14+s2] =	stream.linear.scatter [tilespmem:s5], [sflag:$0x3], $0x10000, $0x38;
	v63 =	vld [tilespmem:$0x0]  }
0x4b: {  	_ = 	snop  }
0x4c: {  	[hbm4b:s16+s2] =	stream.linear.scatter [tilespmem:s5], [sflag:$0x3], $0x10000, $0x38;
	v63 =	vld [tilespmem:$0x0]  }
0x4d: {  	_ =	swait.ge [sflag:s15], $0x10000  }
0x4e: {  	[sflag:s15] =	ssyncset.done $0x0  }
0x4f: {  	[sflag:s15] =	ssyncadd.s32 $0xFFFF0000  }
0x50: {  	_ =	swait.ge [sflag:s15], $0x10000  }
0x51: {  	[sflag:s15] =	ssyncset.done $0x0  }
0x52: {  	[sflag:s15] =	ssyncadd.s32 $0xFFFF0000  }
0x53: {  	_ =	swait.ge [sflag:s15], $0x10000  }
0x54: {  	[sflag:s15] =	ssyncset.done $0x0  }
0x55: {  	[sflag:s15] =	ssyncadd.s32 $0xFFFF0000  }
0x56: {  	_ =	swait.ge [sflag:s15], $0x10000  }
0x57: {  	[sflag:s15] =	ssyncset.done $0x0  }
0x58: {  	[sflag:s15] =	ssyncadd.s32 $0xFFFF0000  }
0x59: {  	_ =	swait.ge [sflag:s15], $0x10000  }
0x5a: {  	[sflag:s15] =	ssyncset.done $0x0  }
0x5b: {  	[sflag:s15] =	ssyncadd.s32 $0xFFFF0000  }
0x5c: {  	_ =	swait.ge [sflag:s15], $0x10000  }
0x5d: {  	[sflag:s15] =	ssyncset.done $0x0  }
0x5e: {  	[sflag:s15] =	ssyncadd.s32 $0xFFFF0000  }
.Ltmp1:
0x5f: {  	_ =	swait.ge [sflag:s15], $0x10000;
	(pc) =	sbr.rel @p0 .LBB2_1-.Ltmp1, $4  }
0x60: {  	[sflag:s15] =	ssyncset.done $0x0  }
0x61: {  	[sflag:s15] =	ssyncadd.s32 $0xFFFF0000  }
0x62: {  	_ =	swait.ge [sflag:s15], $0x10000  }
0x63: {  	[sflag:s15] =	ssyncset.done $0x0  }
.LBB2_2:
0x64: {  	[sflag:s15] =	ssyncadd.s32 $0xFFFF0000  }
0x65: {  	_ =	sfence.sel $0x180000  }
0x66: {  	[bflag:$0x0] =	sbarrier.arrive $0xFFFF  }
0x67: {  	p0 =	sne.s32 s1, $0x0;
	_ =	strace $0x90000047  }
0x68: {  	s0 =	sadd.s32 @!p0 $0x100000, s0;
	[bflag:$0x2] =	sbarrier.arrive $0xFFFF  }
0x69: {  	[sflag:s0] =	ssyncadd.tile.s32 @!p0 $0x1;
	_ =	shalt  }
.Lfunc_end2:
_tile_overlayer_lowered:
.L_overlay_start_2:
0x6a: {  	(tag) =	ssettag $0x2  }
0x6b: {  	s0 =	rddreg [dreg:$0x0];
	s2 =	stileid.u32  }
0x6c: {  	s1 =	rddreg [dreg:$0x1];
	p0 =	sne.s32 s2, $0x0  }
0x6d: {  	s3 =	rddreg [dreg:$0x2];
	[bflag:$0x3] =	sbarrier.arrive $0xFFFF;
	s2 =	simm.s32 @!p0 $0x1C04  }
0x6e: {  	[timem:s3], [sflag:s2] =	dma.local @!p0 [hbm:s0], s1  }
0x6f: {  	s0 =	simm.s32 @!p0 $0x4  }
0x70: {  	_ =	swait.ge @!p0 [sflag:s0], s1  }
0x71: {  	s1 =	ssub.s32 @!p0 $0x0, s1;
	[sflag:s0] =	ssyncset.done @!p0 $0x0  }
0x72: {  	[sflag:s0] =	ssyncadd.s32 @!p0 s1  }
0x73: {  	[bflag:$0x3] =	sbarrier.arrive $0xFFFF  }
0x74: {  	_ =	shalt  }

</sc_bundles>
